<compile_context>
chip_gen: v7x
topology: tpu7x:2x2x1
jax: 0.10.2.dev20260603
libtpu: 0.0.44.dev20260713+nightly
codegen_flags: <defaults>
</compile_context>

<pallas_src>
import functools

import jax
import jax.numpy as jnp
from jax import lax
from jax.experimental import pallas as pl
from jax.experimental.pallas import tpu as pltpu
from jax.experimental.pallas import tpu_sc as plsc

_VOCAB = 100000
_HIDDEN = 64
_LANG_PAD = 128
_BATCH = 4096
_SEQ = 200
_HALF = 104
_OFF2 = _SEQ - _HALF
_SEQP = 2 * _HALF

_NC = 2
_NS = 16
_NW = _NC * _NS
_RPW = _BATCH // _NW

_VBLK = 10000


def _proj_body(emb_ref, tw_ref, wt_ref, b_ref, out_ref):
    weighted = emb_ref[...] * tw_ref[...]
    out_ref[...] = (
        jnp.dot(weighted, wt_ref[...], preferred_element_type=jnp.float32)
        + b_ref[...]
    ).astype(jnp.bfloat16)


def _project_table(embeddings, token_weights, W, b):
    wt = jnp.zeros((_HIDDEN, _LANG_PAD), jnp.float32).at[:, : W.shape[0]].set(W.T)
    b2 = jnp.zeros((1, _LANG_PAD), jnp.float32).at[0, : b.shape[0]].set(b)
    return pl.pallas_call(
        _proj_body,
        grid=(_VOCAB // _VBLK,),
        in_specs=[
            pl.BlockSpec((_VBLK, _HIDDEN), lambda i: (i, 0)),
            pl.BlockSpec((_VBLK, 1), lambda i: (i, 0)),
            pl.BlockSpec((_HIDDEN, _LANG_PAD), lambda i: (0, 0)),
            pl.BlockSpec((1, _LANG_PAD), lambda i: (0, 0)),
        ],
        out_specs=pl.BlockSpec((_VBLK, _LANG_PAD), lambda i: (i, 0)),
        out_shape=jax.ShapeDtypeStruct((_VOCAB, _LANG_PAD), jnp.bfloat16),
    )(embeddings, token_weights, wt, b2)


@functools.partial(
    pl.kernel,
    mesh=plsc.VectorSubcoreMesh(core_axis_name="c", subcore_axis_name="s"),
    out_type=jax.ShapeDtypeStruct((_BATCH, _LANG_PAD), jnp.bfloat16),
    scratch_types=[
        pltpu.VMEM((_RPW, _SEQ), jnp.int32),
        pltpu.VMEM((_SEQP, _LANG_PAD), jnp.bfloat16),
        pltpu.VMEM((_SEQP, _LANG_PAD), jnp.bfloat16),
        pltpu.VMEM((_RPW, _LANG_PAD), jnp.bfloat16),
        pltpu.SemaphoreType.DMA,
        pltpu.SemaphoreType.DMA,
    ],
    compiler_params=pltpu.CompilerParams(use_tc_tiling_on_sc=False),
)
def _gather_max(ids_hbm, p_hbm, out_hbm, idx_v, buf_a, buf_b, out_v, sem_a, sem_b):
    wid = lax.axis_index("s") * _NC + lax.axis_index("c")
    base = wid * _RPW
    pltpu.sync_copy(ids_hbm.at[pl.ds(base, _RPW), :], idx_v)

    def start(r, buf, sem):
        pltpu.async_copy(
            p_hbm.at[idx_v.at[r, pl.ds(0, _HALF)]],
            buf.at[pl.ds(0, _HALF), :],
            sem,
        )
        pltpu.async_copy(
            p_hbm.at[idx_v.at[r, pl.ds(_OFF2, _HALF)]],
            buf.at[pl.ds(_HALF, _HALF), :],
            sem,
        )

    def drain(buf, sem):
        pltpu.make_async_copy(p_hbm.at[pl.ds(0, _SEQP), :], buf, sem).wait()

    def reduce_row(r, buf):
        acc = tuple(buf[0, pl.ds(j * 32, 32)] for j in range(_LANG_PAD // 32))

        def sbody(s, a):
            return tuple(
                jnp.maximum(a[j], buf[s, pl.ds(j * 32, 32)])
                for j in range(_LANG_PAD // 32)
            )

        acc = lax.fori_loop(1, _SEQP, sbody, acc)
        for j in range(_LANG_PAD // 32):
            out_v[r, pl.ds(j * 32, 32)] = acc[j]

    start(0, buf_a, sem_a)

    def pair(i, carry):
        r = 2 * i
        start(r + 1, buf_b, sem_b)
        drain(buf_a, sem_a)
        reduce_row(r, buf_a)

        @pl.when(i + 1 < _RPW // 2)
        def _():
            start(r + 2, buf_a, sem_a)

        drain(buf_b, sem_b)
        reduce_row(r + 1, buf_b)
        return carry

    lax.fori_loop(0, _RPW // 2, pair, 0)
    pltpu.sync_copy(out_v, out_hbm.at[pl.ds(base, _RPW), :])


def kernel(token_ids, embeddings, token_weights, W, b):
    p = _project_table(embeddings, token_weights, W, b)
    out = _gather_max(token_ids, p)
    return out[:, : W.shape[0]].astype(jnp.float32)

# --- scband reference (transcript-rebuilt; emitter-appended) ---
"""Pipeline reference for scband-language-detection-model-25159918420248 (READ-ONLY COPY).

The authoritative reference and input builder live on the scoring server;
editing this copy changes nothing except your own understanding.
"""

import jax, jax.numpy as jnp
import numpy as np

VOCAB = 100000
HIDDEN = 64
N_LANG = 100
BATCH = 4096
SEQ = 200

def setup_inputs(seed: int = 0) -> dict:
    key = jax.random.key(seed)
    k1, k2, k3, k4 = jax.random.split(key, 4)
    token_ids = jax.random.randint(k1, (BATCH, SEQ), 0, VOCAB, dtype=jnp.int32)
    # static embedding buffer (vocab_size, hidden_dim)
    embeddings = jax.random.normal(k2, (VOCAB, HIDDEN), dtype=jnp.float32) * 0.02
    # learnable per-token weights, initialized to ones as in the torch module
    token_weights = jnp.ones((VOCAB, 1), dtype=jnp.float32)
    # projection layer params (n_languages, hidden_dim), (n_languages,)
    bound = 1.0 / np.sqrt(HIDDEN)
    W = jax.random.uniform(k3, (N_LANG, HIDDEN), dtype=jnp.float32, minval=-bound, maxval=bound)
    b = jax.random.uniform(k4, (N_LANG,), dtype=jnp.float32, minval=-bound, maxval=bound)
    return {"token_ids": token_ids, "embeddings": embeddings, "token_weights": token_weights, "W": W, "b": b}

def reference(token_ids, embeddings, token_weights, W, b):
    # gather static embeddings: (B, S, H)
    emb = jnp.take(embeddings, token_ids, axis=0)
    # gather learnable per-token weights: (B, S, 1)
    tw = jnp.take(token_weights, token_ids, axis=0)
    weighted = emb * tw
    # dropout is identity in eval / p=0.0
    # linear projection: (B, S, n_languages)
    x = jnp.einsum('bsd,ld->bsl', weighted, W) + b
    # max pooling over sequence dimension
    return jnp.max(x, axis=1)

if __name__ == "__main__":
    import jax
    _d = setup_inputs()
    print(jax.jit(kernel)(*tuple(_d.values())))

</pallas_src>

<mosaic_0001>
#map = affine_map<(d0, d1) -> (0, 0)>
module attributes {stable_mosaic.version = 14 : i64} {
  func.func @_gather_max(%arg0: i32, %arg1: i32, %arg2: memref<4096x200xi32, #tpu.memory_space<hbm>>, %arg3: memref<100000x128xbf16, #tpu.memory_space<hbm>>, %arg4: memref<4096x128xbf16, #tpu.memory_space<hbm>>, %arg5: memref<128x200xi32, #tpu.memory_space<vmem>>, %arg6: memref<208x128xbf16, #tpu.memory_space<vmem>>, %arg7: memref<208x128xbf16, #tpu.memory_space<vmem>>, %arg8: memref<128x128xbf16, #tpu.memory_space<vmem>>, %arg9: memref<!tpu.dma_semaphore, #tpu.memory_space<semaphore_mem>>, %arg10: memref<!tpu.dma_semaphore, #tpu.memory_space<semaphore_mem>>) attributes {dimension_semantics = [#tpu.dimension_semantics<core_parallel>, #tpu.dimension_semantics<subcore_parallel>], iteration_bounds = array<i64: 2, 16>, scalar_prefetch = 0 : i64, scratch_operands = 6 : i64, tpu.core_type = #tpu.core_type<sc_vector_subcore>, window_params = [{transform_indices = #map}, {transform_indices = #map}, {transform_indices = #map}]} {
    %mul3A = arith.constant 2 : i32
    %mul3A_0 = arith.muli %arg1, %mul3A : i32
    %add3A = arith.addi %mul3A_0, %arg0 : i32
    %mul3A_1 = arith.constant 128 : i32
    %mul3A_2 = arith.muli %add3A, %mul3A_1 : i32
    "tpu.region"() ({
      %run_scoped3A = tpu.sem_alloc : memref<!tpu.dma_semaphore, #tpu.memory_space<semaphore_mem>>
      %dma_start3A_27 = arith.constant 0 : i32
      %dma_start3A_28 = tpu.memref_slice %arg2[%mul3A_2, %dma_start3A_27] : memref<4096x200xi32, #tpu.memory_space<hbm>> -> memref<128x200xi32, #tpu.memory_space<hbm>>
      %dma_start3A_29 = arith.constant 0 : i32
      %dma_start3A_30 = tpu.memref_slice %arg2[%mul3A_2, %dma_start3A_29] : memref<4096x200xi32, #tpu.memory_space<hbm>> -> memref<128x200xi32, #tpu.memory_space<hbm>>
      tpu.enqueue_dma source(%dma_start3A_30 : memref<128x200xi32, #tpu.memory_space<hbm>>) target(%arg5 : memref<128x200xi32, #tpu.memory_space<vmem>>) target_semaphore(%run_scoped3A : memref<!tpu.dma_semaphore, #tpu.memory_space<semaphore_mem>>)
      %dma_wait3A = arith.constant 0 : i32
      %dma_wait3A_31 = tpu.memref_slice %arg2[%mul3A_2, %dma_wait3A] : memref<4096x200xi32, #tpu.memory_space<hbm>> -> memref<128x200xi32, #tpu.memory_space<hbm>>
      %dma_wait3A_32 = arith.constant 0 : i32
      %dma_wait3A_33 = tpu.memref_slice %arg2[%mul3A_2, %dma_wait3A_32] : memref<4096x200xi32, #tpu.memory_space<hbm>> -> memref<128x200xi32, #tpu.memory_space<hbm>>
      tpu.wait_dma2 semaphore(%run_scoped3A : memref<!tpu.dma_semaphore, #tpu.memory_space<semaphore_mem>>) src(%dma_wait3A_33 : memref<128x200xi32, #tpu.memory_space<hbm>>) dst(%arg5 : memref<128x200xi32, #tpu.memory_space<vmem>>)
      tpu.yield
    }) : () -> ()
    %dma_start3A = arith.constant 0 : i32
    %dma_start3A_3 = arith.constant 0 : i32
    %dma_start3A_4 = arith.constant 0 : i32
    %dma_start3A_5 = tpu.memref_slice %arg6[%dma_start3A_3, %dma_start3A_4] : memref<208x128xbf16, #tpu.memory_space<vmem>> -> memref<104x128xbf16, #tpu.memory_space<vmem>>
    %dma_start3A_6 = arith.constant 0 : i32
    %dma_start3A_7 = tpu.memref_slice %arg5[%dma_start3A, %dma_start3A_6] : memref<128x200xi32, #tpu.memory_space<vmem>> -> memref<1x104xi32, #tpu.memory_space<vmem>>
    %dma_start3A_8 = tpu.memref_squeeze %dma_start3A_7 : memref<1x104xi32, #tpu.memory_space<vmem>> -> memref<104xi32, #tpu.memory_space<vmem>>
    %dma_start3A_9 = arith.constant 0 : i32
    %dma_start3A_10 = arith.constant 0 : i32
    %dma_start3A_11 = tpu.memref_slice %arg3[%dma_start3A_9, %dma_start3A_10] : memref<100000x128xbf16, #tpu.memory_space<hbm>> -> memref<100000x128xbf16, #tpu.memory_space<hbm>>
    tpu.enqueue_indirect_dma source(%dma_start3A_11 : memref<100000x128xbf16, #tpu.memory_space<hbm>>) target(%dma_start3A_5 : memref<104x128xbf16, #tpu.memory_space<vmem>>) offsets(%dma_start3A_8 : memref<104xi32, #tpu.memory_space<vmem>>) semaphore(%arg9 : memref<!tpu.dma_semaphore, #tpu.memory_space<semaphore_mem>>)
    %dma_start3A_12 = arith.constant 0 : i32
    %dma_start3A_13 = arith.constant 104 : i32
    %dma_start3A_14 = arith.constant 0 : i32
    %dma_start3A_15 = tpu.memref_slice %arg6[%dma_start3A_13, %dma_start3A_14] : memref<208x128xbf16, #tpu.memory_space<vmem>> -> memref<104x128xbf16, #tpu.memory_space<vmem>>
    %dma_start3A_16 = arith.constant 96 : i32
    %dma_start3A_17 = tpu.memref_slice %arg5[%dma_start3A_12, %dma_start3A_16] : memref<128x200xi32, #tpu.memory_space<vmem>> -> memref<1x104xi32, #tpu.memory_space<vmem>>
    %dma_start3A_18 = tpu.memref_squeeze %dma_start3A_17 : memref<1x104xi32, #tpu.memory_space<vmem>> -> memref<104xi32, #tpu.memory_space<vmem>>
    %dma_start3A_19 = arith.constant 0 : i32
    %dma_start3A_20 = arith.constant 0 : i32
    %dma_start3A_21 = tpu.memref_slice %arg3[%dma_start3A_19, %dma_start3A_20] : memref<100000x128xbf16, #tpu.memory_space<hbm>> -> memref<100000x128xbf16, #tpu.memory_space<hbm>>
    tpu.enqueue_indirect_dma source(%dma_start3A_21 : memref<100000x128xbf16, #tpu.memory_space<hbm>>) target(%dma_start3A_15 : memref<104x128xbf16, #tpu.memory_space<vmem>>) offsets(%dma_start3A_18 : memref<104xi32, #tpu.memory_space<vmem>>) semaphore(%arg9 : memref<!tpu.dma_semaphore, #tpu.memory_space<semaphore_mem>>)
    %scan3A = arith.constant 0 : i32
    %scan3A_22 = arith.constant 0 : i32
    %scan3A_23 = arith.constant 64 : i32
    %scan3A_24 = arith.addi %scan3A_22, %scan3A_23 : i32
    %scan3A_25 = arith.constant 1 : i32
    scf.for %scan3A_27 = %scan3A_22 to %scan3A_24 step %scan3A_25  : i32 {
      %mul3A_28 = arith.constant 2 : i32
      %mul3A_29 = arith.muli %mul3A_28, %scan3A_27 : i32
      %add3A_30 = arith.constant 1 : i32
      %add3A_31 = arith.addi %mul3A_29, %add3A_30 : i32
      %dma_start3A_32 = arith.constant 0 : i32
      %dma_start3A_33 = arith.constant 0 : i32
      %dma_start3A_34 = tpu.memref_slice %arg7[%dma_start3A_32, %dma_start3A_33] : memref<208x128xbf16, #tpu.memory_space<vmem>> -> memref<104x128xbf16, #tpu.memory_space<vmem>>
      %dma_start3A_35 = arith.constant 0 : i32
      %dma_start3A_36 = tpu.memref_slice %arg5[%add3A_31, %dma_start3A_35] : memref<128x200xi32, #tpu.memory_space<vmem>> -> memref<1x104xi32, #tpu.memory_space<vmem>>
      %dma_start3A_37 = tpu.memref_squeeze %dma_start3A_36 : memref<1x104xi32, #tpu.memory_space<vmem>> -> memref<104xi32, #tpu.memory_space<vmem>>
      %dma_start3A_38 = arith.constant 0 : i32
      %dma_start3A_39 = arith.constant 0 : i32
      %dma_start3A_40 = tpu.memref_slice %arg3[%dma_start3A_38, %dma_start3A_39] : memref<100000x128xbf16, #tpu.memory_space<hbm>> -> memref<100000x128xbf16, #tpu.memory_space<hbm>>
      tpu.enqueue_indirect_dma source(%dma_start3A_40 : memref<100000x128xbf16, #tpu.memory_space<hbm>>) target(%dma_start3A_34 : memref<104x128xbf16, #tpu.memory_space<vmem>>) offsets(%dma_start3A_37 : memref<104xi32, #tpu.memory_space<vmem>>) semaphore(%arg10 : memref<!tpu.dma_semaphore, #tpu.memory_space<semaphore_mem>>)
      %dma_start3A_41 = arith.constant 104 : i32
      %dma_start3A_42 = arith.constant 0 : i32
      %dma_start3A_43 = tpu.memref_slice %arg7[%dma_start3A_41, %dma_start3A_42] : memref<208x128xbf16, #tpu.memory_space<vmem>> -> memref<104x128xbf16, #tpu.memory_space<vmem>>
      %dma_start3A_44 = arith.constant 96 : i32
      %dma_start3A_45 = tpu.memref_slice %arg5[%add3A_31, %dma_start3A_44] : memref<128x200xi32, #tpu.memory_space<vmem>> -> memref<1x104xi32, #tpu.memory_space<vmem>>
      %dma_start3A_46 = tpu.memref_squeeze %dma_start3A_45 : memref<1x104xi32, #tpu.memory_space<vmem>> -> memref<104xi32, #tpu.memory_space<vmem>>
      %dma_start3A_47 = arith.constant 0 : i32
      %dma_start3A_48 = arith.constant 0 : i32
      %dma_start3A_49 = tpu.memref_slice %arg3[%dma_start3A_47, %dma_start3A_48] : memref<100000x128xbf16, #tpu.memory_space<hbm>> -> memref<100000x128xbf16, #tpu.memory_space<hbm>>
      tpu.enqueue_indirect_dma source(%dma_start3A_49 : memref<100000x128xbf16, #tpu.memory_space<hbm>>) target(%dma_start3A_43 : memref<104x128xbf16, #tpu.memory_space<vmem>>) offsets(%dma_start3A_46 : memref<104xi32, #tpu.memory_space<vmem>>) semaphore(%arg10 : memref<!tpu.dma_semaphore, #tpu.memory_space<semaphore_mem>>)
      %dma_wait3A = arith.constant 0 : i32
      %dma_wait3A_50 = arith.constant 0 : i32
      %dma_wait3A_51 = tpu.memref_slice %arg3[%dma_wait3A, %dma_wait3A_50] : memref<100000x128xbf16, #tpu.memory_space<hbm>> -> memref<208x128xbf16, #tpu.memory_space<hbm>>
      %dma_wait3A_52 = arith.constant 0 : i32
      %dma_wait3A_53 = arith.constant 0 : i32
      %dma_wait3A_54 = tpu.memref_slice %arg3[%dma_wait3A_52, %dma_wait3A_53] : memref<100000x128xbf16, #tpu.memory_space<hbm>> -> memref<208x128xbf16, #tpu.memory_space<hbm>>
      tpu.wait_dma2 semaphore(%arg9 : memref<!tpu.dma_semaphore, #tpu.memory_space<semaphore_mem>>) src(%dma_wait3A_54 : memref<208x128xbf16, #tpu.memory_space<hbm>>) dst(%arg6 : memref<208x128xbf16, #tpu.memory_space<vmem>>)
      %get3A = arith.constant 0 : i32
      %get3A_55 = arith.index_cast %get3A : i32 to index
      %get3A_56 = arith.constant 0 : index
      %get3A_57 = tpu.vector_load %arg6[%get3A_55, %get3A_56] {strides = array<i32>} : memref<208x128xbf16, #tpu.memory_space<vmem>>, vector<1x32xbf16>,
      %get3A_58 = vector.shape_cast %get3A_57 : vector<1x32xbf16> to vector<32xbf16>
      %get3A_59 = arith.constant 0 : i32
      %get3A_60 = arith.index_cast %get3A_59 : i32 to index
      %get3A_61 = arith.constant 32 : index
      %get3A_62 = tpu.vector_load %arg6[%get3A_60, %get3A_61] {strides = array<i32>} : memref<208x128xbf16, #tpu.memory_space<vmem>>, vector<1x32xbf16>,
      %get3A_63 = vector.shape_cast %get3A_62 : vector<1x32xbf16> to vector<32xbf16>
      %get3A_64 = arith.constant 0 : i32
      %get3A_65 = arith.index_cast %get3A_64 : i32 to index
      %get3A_66 = arith.constant 64 : index
      %get3A_67 = tpu.vector_load %arg6[%get3A_65, %get3A_66] {strides = array<i32>} : memref<208x128xbf16, #tpu.memory_space<vmem>>, vector<1x32xbf16>,
      %get3A_68 = vector.shape_cast %get3A_67 : vector<1x32xbf16> to vector<32xbf16>
      %get3A_69 = arith.constant 0 : i32
      %get3A_70 = arith.index_cast %get3A_69 : i32 to index
      %get3A_71 = arith.constant 96 : index
      %get3A_72 = tpu.vector_load %arg6[%get3A_70, %get3A_71] {strides = array<i32>} : memref<208x128xbf16, #tpu.memory_space<vmem>>, vector<1x32xbf16>,
      %get3A_73 = vector.shape_cast %get3A_72 : vector<1x32xbf16> to vector<32xbf16>
      %scan3A_74 = arith.constant 1 : i32
      %scan3A_75 = arith.constant 207 : i32
      %scan3A_76 = arith.addi %scan3A_74, %scan3A_75 : i32
      %scan3A_77 = arith.constant 1 : i32
      %scan3A_78:4 = scf.for %scan3A_157 = %scan3A_74 to %scan3A_76 step %scan3A_77 iter_args(%scan3A_158 = %get3A_58, %scan3A_159 = %get3A_63, %scan3A_160 = %get3A_68, %scan3A_161 = %get3A_73) -> (vector<32xbf16>, vector<32xbf16>, vector<32xbf16>, vector<32xbf16>)  : i32 {
        %get3A_162 = arith.index_cast %scan3A_157 : i32 to index
        %get3A_163 = arith.constant 0 : index
        %get3A_164 = tpu.vector_load %arg6[%get3A_162, %get3A_163] {strides = array<i32>} : memref<208x128xbf16, #tpu.memory_space<vmem>>, vector<1x32xbf16>,
        %get3A_165 = vector.shape_cast %get3A_164 : vector<1x32xbf16> to vector<32xbf16>
        %max3A = arith.maximumf %scan3A_158, %get3A_165 : vector<32xbf16>
        %get3A_166 = arith.index_cast %scan3A_157 : i32 to index
        %get3A_167 = arith.constant 32 : index
        %get3A_168 = tpu.vector_load %arg6[%get3A_166, %get3A_167] {strides = array<i32>} : memref<208x128xbf16, #tpu.memory_space<vmem>>, vector<1x32xbf16>,
        %get3A_169 = vector.shape_cast %get3A_168 : vector<1x32xbf16> to vector<32xbf16>
        %max3A_170 = arith.maximumf %scan3A_159, %get3A_169 : vector<32xbf16>
        %get3A_171 = arith.index_cast %scan3A_157 : i32 to index
        %get3A_172 = arith.constant 64 : index
        %get3A_173 = tpu.vector_load %arg6[%get3A_171, %get3A_172] {strides = array<i32>} : memref<208x128xbf16, #tpu.memory_space<vmem>>, vector<1x32xbf16>,
        %get3A_174 = vector.shape_cast %get3A_173 : vector<1x32xbf16> to vector<32xbf16>
        %max3A_175 = arith.maximumf %scan3A_160, %get3A_174 : vector<32xbf16>
        %get3A_176 = arith.index_cast %scan3A_157 : i32 to index
        %get3A_177 = arith.constant 96 : index
        %get3A_178 = tpu.vector_load %arg6[%get3A_176, %get3A_177] {strides = array<i32>} : memref<208x128xbf16, #tpu.memory_space<vmem>>, vector<1x32xbf16>,
        %get3A_179 = vector.shape_cast %get3A_178 : vector<1x32xbf16> to vector<32xbf16>
        %max3A_180 = arith.maximumf %scan3A_161, %get3A_179 : vector<32xbf16>
        scf.yield %max3A, %max3A_170, %max3A_175, %max3A_180 : vector<32xbf16>, vector<32xbf16>, vector<32xbf16>, vector<32xbf16>
      }
      %scan3A_79 = arith.constant 207 : i32
      %swap3A = arith.index_cast %mul3A_29 : i32 to index
      %swap3A_80 = arith.constant 0 : index
      %swap3A_81 = tpu.vector_load %arg8[%swap3A, %swap3A_80] {strides = array<i32>} : memref<128x128xbf16, #tpu.memory_space<vmem>>, vector<1x32xbf16>,
      %swap3A_82 = vector.shape_cast %swap3A_81 : vector<1x32xbf16> to vector<32xbf16>
      %swap3A_83 = vector.shape_cast %scan3A_78#0 : vector<32xbf16> to vector<1x32xbf16>
      tpu.vector_store %arg8[%swap3A, %swap3A_80], %swap3A_83 {strides = array<i32>} : memref<128x128xbf16, #tpu.memory_space<vmem>>, vector<1x32xbf16>,
      %swap3A_84 = arith.index_cast %mul3A_29 : i32 to index
      %swap3A_85 = arith.constant 32 : index
      %swap3A_86 = tpu.vector_load %arg8[%swap3A_84, %swap3A_85] {strides = array<i32>} : memref<128x128xbf16, #tpu.memory_space<vmem>>, vector<1x32xbf16>,
      %swap3A_87 = vector.shape_cast %swap3A_86 : vector<1x32xbf16> to vector<32xbf16>
      %swap3A_88 = vector.shape_cast %scan3A_78#1 : vector<32xbf16> to vector<1x32xbf16>
      tpu.vector_store %arg8[%swap3A_84, %swap3A_85], %swap3A_88 {strides = array<i32>} : memref<128x128xbf16, #tpu.memory_space<vmem>>, vector<1x32xbf16>,
      %swap3A_89 = arith.index_cast %mul3A_29 : i32 to index
      %swap3A_90 = arith.constant 64 : index
      %swap3A_91 = tpu.vector_load %arg8[%swap3A_89, %swap3A_90] {strides = array<i32>} : memref<128x128xbf16, #tpu.memory_space<vmem>>, vector<1x32xbf16>,
      %swap3A_92 = vector.shape_cast %swap3A_91 : vector<1x32xbf16> to vector<32xbf16>
      %swap3A_93 = vector.shape_cast %scan3A_78#2 : vector<32xbf16> to vector<1x32xbf16>
      tpu.vector_store %arg8[%swap3A_89, %swap3A_90], %swap3A_93 {strides = array<i32>} : memref<128x128xbf16, #tpu.memory_space<vmem>>, vector<1x32xbf16>,
      %swap3A_94 = arith.index_cast %mul3A_29 : i32 to index
      %swap3A_95 = arith.constant 96 : index
      %swap3A_96 = tpu.vector_load %arg8[%swap3A_94, %swap3A_95] {strides = array<i32>} : memref<128x128xbf16, #tpu.memory_space<vmem>>, vector<1x32xbf16>,
      %swap3A_97 = vector.shape_cast %swap3A_96 : vector<1x32xbf16> to vector<32xbf16>
      %swap3A_98 = vector.shape_cast %scan3A_78#3 : vector<32xbf16> to vector<1x32xbf16>
      tpu.vector_store %arg8[%swap3A_94, %swap3A_95], %swap3A_98 {strides = array<i32>} : memref<128x128xbf16, #tpu.memory_space<vmem>>, vector<1x32xbf16>,
      %add3A_99 = arith.constant 1 : i32
      %add3A_100 = arith.addi %scan3A_27, %add3A_99 : i32
      %lt3A = arith.constant 64 : i32
      %lt3A_101 = arith.cmpi slt, %add3A_100, %lt3A : i32
      %convert_element_type3A = arith.extui %lt3A_101 : i1 to i32
      %cond3A = arith.constant 0 : i32
      %cond3A_102 = arith.cmpi ne, %convert_element_type3A, %cond3A : i32
      scf.if %cond3A_102 {
        %add3A_157 = arith.constant 2 : i32
        %add3A_158 = arith.addi %mul3A_29, %add3A_157 : i32
        %dma_start3A_159 = arith.constant 0 : i32
        %dma_start3A_160 = arith.constant 0 : i32
        %dma_start3A_161 = tpu.memref_slice %arg6[%dma_start3A_159, %dma_start3A_160] : memref<208x128xbf16, #tpu.memory_space<vmem>> -> memref<104x128xbf16, #tpu.memory_space<vmem>>
        %dma_start3A_162 = arith.constant 0 : i32
        %dma_start3A_163 = tpu.memref_slice %arg5[%add3A_158, %dma_start3A_162] : memref<128x200xi32, #tpu.memory_space<vmem>> -> memref<1x104xi32, #tpu.memory_space<vmem>>
        %dma_start3A_164 = tpu.memref_squeeze %dma_start3A_163 : memref<1x104xi32, #tpu.memory_space<vmem>> -> memref<104xi32, #tpu.memory_space<vmem>>
        %dma_start3A_165 = arith.constant 0 : i32
        %dma_start3A_166 = arith.constant 0 : i32
        %dma_start3A_167 = tpu.memref_slice %arg3[%dma_start3A_165, %dma_start3A_166] : memref<100000x128xbf16, #tpu.memory_space<hbm>> -> memref<100000x128xbf16, #tpu.memory_space<hbm>>
        tpu.enqueue_indirect_dma source(%dma_start3A_167 : memref<100000x128xbf16, #tpu.memory_space<hbm>>) target(%dma_start3A_161 : memref<104x128xbf16, #tpu.memory_space<vmem>>) offsets(%dma_start3A_164 : memref<104xi32, #tpu.memory_space<vmem>>) semaphore(%arg9 : memref<!tpu.dma_semaphore, #tpu.memory_space<semaphore_mem>>)
        %dma_start3A_168 = arith.constant 104 : i32
        %dma_start3A_169 = arith.constant 0 : i32
        %dma_start3A_170 = tpu.memref_slice %arg6[%dma_start3A_168, %dma_start3A_169] : memref<208x128xbf16, #tpu.memory_space<vmem>> -> memref<104x128xbf16, #tpu.memory_space<vmem>>
        %dma_start3A_171 = arith.constant 96 : i32
        %dma_start3A_172 = tpu.memref_slice %arg5[%add3A_158, %dma_start3A_171] : memref<128x200xi32, #tpu.memory_space<vmem>> -> memref<1x104xi32, #tpu.memory_space<vmem>>
        %dma_start3A_173 = tpu.memref_squeeze %dma_start3A_172 : memref<1x104xi32, #tpu.memory_space<vmem>> -> memref<104xi32, #tpu.memory_space<vmem>>
        %dma_start3A_174 = arith.constant 0 : i32
        %dma_start3A_175 = arith.constant 0 : i32
        %dma_start3A_176 = tpu.memref_slice %arg3[%dma_start3A_174, %dma_start3A_175] : memref<100000x128xbf16, #tpu.memory_space<hbm>> -> memref<100000x128xbf16, #tpu.memory_space<hbm>>
        tpu.enqueue_indirect_dma source(%dma_start3A_176 : memref<100000x128xbf16, #tpu.memory_space<hbm>>) target(%dma_start3A_170 : memref<104x128xbf16, #tpu.memory_space<vmem>>) offsets(%dma_start3A_173 : memref<104xi32, #tpu.memory_space<vmem>>) semaphore(%arg9 : memref<!tpu.dma_semaphore, #tpu.memory_space<semaphore_mem>>)
      } else {
      }
      %dma_wait3A_103 = arith.constant 0 : i32
      %dma_wait3A_104 = arith.constant 0 : i32
      %dma_wait3A_105 = tpu.memref_slice %arg3[%dma_wait3A_103, %dma_wait3A_104] : memref<100000x128xbf16, #tpu.memory_space<hbm>> -> memref<208x128xbf16, #tpu.memory_space<hbm>>
      %dma_wait3A_106 = arith.constant 0 : i32
      %dma_wait3A_107 = arith.constant 0 : i32
      %dma_wait3A_108 = tpu.memref_slice %arg3[%dma_wait3A_106, %dma_wait3A_107] : memref<100000x128xbf16, #tpu.memory_space<hbm>> -> memref<208x128xbf16, #tpu.memory_space<hbm>>
      tpu.wait_dma2 semaphore(%arg10 : memref<!tpu.dma_semaphore, #tpu.memory_space<semaphore_mem>>) src(%dma_wait3A_108 : memref<208x128xbf16, #tpu.memory_space<hbm>>) dst(%arg7 : memref<208x128xbf16, #tpu.memory_space<vmem>>)
      %add3A_109 = arith.constant 1 : i32
      %add3A_110 = arith.addi %mul3A_29, %add3A_109 : i32
      %get3A_111 = arith.constant 0 : i32
      %get3A_112 = arith.index_cast %get3A_111 : i32 to index
      %get3A_113 = arith.constant 0 : index
      %get3A_114 = tpu.vector_load %arg7[%get3A_112, %get3A_113] {strides = array<i32>} : memref<208x128xbf16, #tpu.memory_space<vmem>>, vector<1x32xbf16>,
      %get3A_115 = vector.shape_cast %get3A_114 : vector<1x32xbf16> to vector<32xbf16>
      %get3A_116 = arith.constant 0 : i32
      %get3A_117 = arith.index_cast %get3A_116 : i32 to index
      %get3A_118 = arith.constant 32 : index
      %get3A_119 = tpu.vector_load %arg7[%get3A_117, %get3A_118] {strides = array<i32>} : memref<208x128xbf16, #tpu.memory_space<vmem>>, vector<1x32xbf16>,
      %get3A_120 = vector.shape_cast %get3A_119 : vector<1x32xbf16> to vector<32xbf16>
      %get3A_121 = arith.constant 0 : i32
      %get3A_122 = arith.index_cast %get3A_121 : i32 to index
      %get3A_123 = arith.constant 64 : index
      %get3A_124 = tpu.vector_load %arg7[%get3A_122, %get3A_123] {strides = array<i32>} : memref<208x128xbf16, #tpu.memory_space<vmem>>, vector<1x32xbf16>,
      %get3A_125 = vector.shape_cast %get3A_124 : vector<1x32xbf16> to vector<32xbf16>
      %get3A_126 = arith.constant 0 : i32
      %get3A_127 = arith.index_cast %get3A_126 : i32 to index
      %get3A_128 = arith.constant 96 : index
      %get3A_129 = tpu.vector_load %arg7[%get3A_127, %get3A_128] {strides = array<i32>} : memref<208x128xbf16, #tpu.memory_space<vmem>>, vector<1x32xbf16>,
      %get3A_130 = vector.shape_cast %get3A_129 : vector<1x32xbf16> to vector<32xbf16>
      %scan3A_131 = arith.constant 1 : i32
      %scan3A_132 = arith.constant 207 : i32
      %scan3A_133 = arith.addi %scan3A_131, %scan3A_132 : i32
      %scan3A_134 = arith.constant 1 : i32
      %scan3A_135:4 = scf.for %scan3A_157 = %scan3A_131 to %scan3A_133 step %scan3A_134 iter_args(%scan3A_158 = %get3A_115, %scan3A_159 = %get3A_120, %scan3A_160 = %get3A_125, %scan3A_161 = %get3A_130) -> (vector<32xbf16>, vector<32xbf16>, vector<32xbf16>, vector<32xbf16>)  : i32 {
        %get3A_162 = arith.index_cast %scan3A_157 : i32 to index
        %get3A_163 = arith.constant 0 : index
        %get3A_164 = tpu.vector_load %arg7[%get3A_162, %get3A_163] {strides = array<i32>} : memref<208x128xbf16, #tpu.memory_space<vmem>>, vector<1x32xbf16>,
        %get3A_165 = vector.shape_cast %get3A_164 : vector<1x32xbf16> to vector<32xbf16>
        %max3A = arith.maximumf %scan3A_158, %get3A_165 : vector<32xbf16>
        %get3A_166 = arith.index_cast %scan3A_157 : i32 to index
        %get3A_167 = arith.constant 32 : index
        %get3A_168 = tpu.vector_load %arg7[%get3A_166, %get3A_167] {strides = array<i32>} : memref<208x128xbf16, #tpu.memory_space<vmem>>, vector<1x32xbf16>,
        %get3A_169 = vector.shape_cast %get3A_168 : vector<1x32xbf16> to vector<32xbf16>
        %max3A_170 = arith.maximumf %scan3A_159, %get3A_169 : vector<32xbf16>
        %get3A_171 = arith.index_cast %scan3A_157 : i32 to index
        %get3A_172 = arith.constant 64 : index
        %get3A_173 = tpu.vector_load %arg7[%get3A_171, %get3A_172] {strides = array<i32>} : memref<208x128xbf16, #tpu.memory_space<vmem>>, vector<1x32xbf16>,
        %get3A_174 = vector.shape_cast %get3A_173 : vector<1x32xbf16> to vector<32xbf16>
        %max3A_175 = arith.maximumf %scan3A_160, %get3A_174 : vector<32xbf16>
        %get3A_176 = arith.index_cast %scan3A_157 : i32 to index
        %get3A_177 = arith.constant 96 : index
        %get3A_178 = tpu.vector_load %arg7[%get3A_176, %get3A_177] {strides = array<i32>} : memref<208x128xbf16, #tpu.memory_space<vmem>>, vector<1x32xbf16>,
        %get3A_179 = vector.shape_cast %get3A_178 : vector<1x32xbf16> to vector<32xbf16>
        %max3A_180 = arith.maximumf %scan3A_161, %get3A_179 : vector<32xbf16>
        scf.yield %max3A, %max3A_170, %max3A_175, %max3A_180 : vector<32xbf16>, vector<32xbf16>, vector<32xbf16>, vector<32xbf16>
      }
      %scan3A_136 = arith.constant 207 : i32
      %swap3A_137 = arith.index_cast %add3A_110 : i32 to index
      %swap3A_138 = arith.constant 0 : index
      %swap3A_139 = tpu.vector_load %arg8[%swap3A_137, %swap3A_138] {strides = array<i32>} : memref<128x128xbf16, #tpu.memory_space<vmem>>, vector<1x32xbf16>,
      %swap3A_140 = vector.shape_cast %swap3A_139 : vector<1x32xbf16> to vector<32xbf16>
      %swap3A_141 = vector.shape_cast %scan3A_135#0 : vector<32xbf16> to vector<1x32xbf16>
      tpu.vector_store %arg8[%swap3A_137, %swap3A_138], %swap3A_141 {strides = array<i32>} : memref<128x128xbf16, #tpu.memory_space<vmem>>, vector<1x32xbf16>,
      %swap3A_142 = arith.index_cast %add3A_110 : i32 to index
      %swap3A_143 = arith.constant 32 : index
      %swap3A_144 = tpu.vector_load %arg8[%swap3A_142, %swap3A_143] {strides = array<i32>} : memref<128x128xbf16, #tpu.memory_space<vmem>>, vector<1x32xbf16>,
      %swap3A_145 = vector.shape_cast %swap3A_144 : vector<1x32xbf16> to vector<32xbf16>
      %swap3A_146 = vector.shape_cast %scan3A_135#1 : vector<32xbf16> to vector<1x32xbf16>
      tpu.vector_store %arg8[%swap3A_142, %swap3A_143], %swap3A_146 {strides = array<i32>} : memref<128x128xbf16, #tpu.memory_space<vmem>>, vector<1x32xbf16>,
      %swap3A_147 = arith.index_cast %add3A_110 : i32 to index
      %swap3A_148 = arith.constant 64 : index
      %swap3A_149 = tpu.vector_load %arg8[%swap3A_147, %swap3A_148] {strides = array<i32>} : memref<128x128xbf16, #tpu.memory_space<vmem>>, vector<1x32xbf16>,
      %swap3A_150 = vector.shape_cast %swap3A_149 : vector<1x32xbf16> to vector<32xbf16>
      %swap3A_151 = vector.shape_cast %scan3A_135#2 : vector<32xbf16> to vector<1x32xbf16>
      tpu.vector_store %arg8[%swap3A_147, %swap3A_148], %swap3A_151 {strides = array<i32>} : memref<128x128xbf16, #tpu.memory_space<vmem>>, vector<1x32xbf16>,
      %swap3A_152 = arith.index_cast %add3A_110 : i32 to index
      %swap3A_153 = arith.constant 96 : index
      %swap3A_154 = tpu.vector_load %arg8[%swap3A_152, %swap3A_153] {strides = array<i32>} : memref<128x128xbf16, #tpu.memory_space<vmem>>, vector<1x32xbf16>,
      %swap3A_155 = vector.shape_cast %swap3A_154 : vector<1x32xbf16> to vector<32xbf16>
      %swap3A_156 = vector.shape_cast %scan3A_135#3 : vector<32xbf16> to vector<1x32xbf16>
      tpu.vector_store %arg8[%swap3A_152, %swap3A_153], %swap3A_156 {strides = array<i32>} : memref<128x128xbf16, #tpu.memory_space<vmem>>, vector<1x32xbf16>,
    }
    %scan3A_26 = arith.constant 64 : i32
    "tpu.region"() ({
      %run_scoped3A = tpu.sem_alloc : memref<!tpu.dma_semaphore, #tpu.memory_space<semaphore_mem>>
      %dma_start3A_27 = arith.constant 0 : i32
      %dma_start3A_28 = tpu.memref_slice %arg4[%mul3A_2, %dma_start3A_27] : memref<4096x128xbf16, #tpu.memory_space<hbm>> -> memref<128x128xbf16, #tpu.memory_space<hbm>>
      %dma_start3A_29 = arith.constant 0 : i32
      %dma_start3A_30 = tpu.memref_slice %arg4[%mul3A_2, %dma_start3A_29] : memref<4096x128xbf16, #tpu.memory_space<hbm>> -> memref<128x128xbf16, #tpu.memory_space<hbm>>
      tpu.enqueue_dma source(%arg8 : memref<128x128xbf16, #tpu.memory_space<vmem>>) target(%dma_start3A_30 : memref<128x128xbf16, #tpu.memory_space<hbm>>) target_semaphore(%run_scoped3A : memref<!tpu.dma_semaphore, #tpu.memory_space<semaphore_mem>>)
      %dma_wait3A = arith.constant 0 : i32
      %dma_wait3A_31 = tpu.memref_slice %arg4[%mul3A_2, %dma_wait3A] : memref<4096x128xbf16, #tpu.memory_space<hbm>> -> memref<128x128xbf16, #tpu.memory_space<hbm>>
      %dma_wait3A_32 = arith.constant 0 : i32
      %dma_wait3A_33 = tpu.memref_slice %arg4[%mul3A_2, %dma_wait3A_32] : memref<4096x128xbf16, #tpu.memory_space<hbm>> -> memref<128x128xbf16, #tpu.memory_space<hbm>>
      tpu.wait_dma2 semaphore(%run_scoped3A : memref<!tpu.dma_semaphore, #tpu.memory_space<semaphore_mem>>) src(%arg8 : memref<128x128xbf16, #tpu.memory_space<vmem>>) dst(%dma_wait3A_33 : memref<128x128xbf16, #tpu.memory_space<hbm>>)
      tpu.yield
    }) : () -> ()
    return
  }
}

module attributes {stable_mosaic.version = 14 : i64} {
  func.func @_proj_body(%arg0: i32, %arg1: memref<10000x64xf32, #tpu.memory_space<vmem>>, %arg2: memref<10000x1xf32, #tpu.memory_space<vmem>>, %arg3: memref<64x128xf32, #tpu.memory_space<vmem>>, %arg4: memref<1x128xf32, #tpu.memory_space<vmem>>, %arg5: memref<10000x128xbf16, #tpu.memory_space<vmem>>) attributes {dimension_semantics = [#tpu.dimension_semantics<arbitrary>], iteration_bounds = array<i64: 10>, scalar_prefetch = 0 : i64, scratch_operands = 0 : i64, tpu.core_type = #tpu.core_type<tc>, window_params = [{transform_indices = @transform_0, window_bounds = array<i64: 10000, 64>}, {transform_indices = @transform_1, window_bounds = array<i64: 10000, 1>}, {pipeline_mode = #tpu.pipeline_mode<synchronous>, transform_indices = @transform_2, window_bounds = array<i64: 64, 128>}, {pipeline_mode = #tpu.pipeline_mode<synchronous>, transform_indices = @transform_3, window_bounds = array<i64: 1, 128>}, {transform_indices = @transform_4, window_bounds = array<i64: 10000, 128>}]} {
    %get3A = arith.constant 0 : index
    %get3A_0 = arith.constant 0 : index
    %get3A_1 = vector.load %arg1[%get3A, %get3A_0] : memref<10000x64xf32, #tpu.memory_space<vmem>>, vector<10000x64xf32>
    %get3A_2 = arith.constant 0 : index
    %get3A_3 = arith.constant 0 : index
    %get3A_4 = vector.load %arg2[%get3A_2, %get3A_3] : memref<10000x1xf32, #tpu.memory_space<vmem>>, vector<10000x1xf32>
    %mul3A = vector.broadcast %get3A_4 : vector<10000x1xf32> to vector<10000x64xf32>
    %mul3A_5 = arith.mulf %get3A_1, %mul3A : vector<10000x64xf32>
    %get3A_6 = arith.constant 0 : index
    %get3A_7 = arith.constant 0 : index
    %get3A_8 = vector.load %arg3[%get3A_6, %get3A_7] : memref<64x128xf32, #tpu.memory_space<vmem>>, vector<64x128xf32>
    %dot_general3A = arith.constant dense<0.000000e+00> : vector<10000x128xf32>
    %dot_general3A_9 = tpu.matmul %mul3A_5, %get3A_8, %dot_general3A {dimension_numbers = #tpu.dot_dimension_numbers<[1], [0], [0], [1], [0, 0, 1, 1], [], []>, transpose_lhs_hint = false} : vector<10000x64xf32>, vector<64x128xf32>, vector<10000x128xf32> -> vector<10000x128xf32>
    %get3A_10 = arith.constant 0 : index
    %get3A_11 = arith.constant 0 : index
    %get3A_12 = vector.load %arg4[%get3A_10, %get3A_11] : memref<1x128xf32, #tpu.memory_space<vmem>>, vector<1x128xf32>
    %add3A = vector.broadcast %get3A_12 : vector<1x128xf32> to vector<10000x128xf32>
    %add3A_13 = arith.addf %dot_general3A_9, %add3A : vector<10000x128xf32>
    %convert_element_type3A = arith.truncf %add3A_13 : vector<10000x128xf32> to vector<10000x128xbf16>
    %swap3A = arith.constant 0 : index
    %swap3A_14 = arith.constant 0 : index
    %swap3A_15 = vector.load %arg5[%swap3A, %swap3A_14] : memref<10000x128xbf16, #tpu.memory_space<vmem>>, vector<10000x128xbf16>
    tpu.vector_store %arg5[%swap3A, %swap3A_14], %convert_element_type3A {strides = array<i32>} : memref<10000x128xbf16, #tpu.memory_space<vmem>>, vector<10000x128xbf16>,
    return
  }
  func.func @transform_0(%arg0: i32) -> (i32, i32) {
    %c0_i32 = arith.constant 0 : i32
    %c0_i32_0 = arith.constant 0 : i32
    return %arg0, %c0_i32 : i32, i32
  }
  func.func @transform_1(%arg0: i32) -> (i32, i32) {
    %c0_i32 = arith.constant 0 : i32
    %c0_i32_0 = arith.constant 0 : i32
    return %arg0, %c0_i32 : i32, i32
  }
  func.func @transform_2(%arg0: i32) -> (i32, i32) {
    %c0_i32 = arith.constant 0 : i32
    %c0_i32_0 = arith.constant 0 : i32
    %c0_i32_1 = arith.constant 0 : i32
    return %c0_i32, %c0_i32_0 : i32, i32
  }
  func.func @transform_3(%arg0: i32) -> (i32, i32) {
    %c0_i32 = arith.constant 0 : i32
    %c0_i32_0 = arith.constant 0 : i32
    %c0_i32_1 = arith.constant 0 : i32
    return %c0_i32, %c0_i32_0 : i32, i32
  }
  func.func @transform_4(%arg0: i32) -> (i32, i32) {
    %c0_i32 = arith.constant 0 : i32
    %c0_i32_0 = arith.constant 0 : i32
    return %arg0, %c0_i32 : i32, i32
  }
}

</mosaic_0001>

<sc_bundles>
// kernel: kernel.4.cloned.1.call-start
scs
__scs_entry_jumppad:
0x0: {  	(pc) =	sbr.rel $0x88, $3  }
0x1: {  	(tag) =	ssettag $0x0;
	lr =	simm.s32 $0x1  }
0x2: {  	[smem:$0x3F9C] =	sst lr;
	_ =	strace $0xD0000000  }
0x3: {  	_ = 	snop  }
0x4: {  	_ = 	snop  }
0x5: {  	_ = 	snop  }
0x6: {  	_ = 	snop  }
0x7: {  	_ = 	snop  }
__scs_overlays_trampoline_lowered:
0x8: {  	[smem:$0x3FAB] =	sst s0  }
0x9: {  	[smem:$0x3FAC] =	sst s1  }
0xa: {  	[smem:$0x3FAD] =	sst s2  }
0xb: {  	[smem:$0x3FAE] =	sst s3  }
0xc: {  	[smem:$0x3FAF] =	sst s4  }
0xd: {  	[smem:$0x3FB0] =	sst s5  }
0xe: {  	[smem:$0x3FB1] =	sst s6  }
0xf: {  	[smem:$0x3FB2] =	sst s7  }
0x10: {  	[smem:$0x3FB3] =	sst s8  }
0x11: {  	[smem:$0x3FB4] =	sst s9;
	s0 =	simm.s32 @!p0 $0x0  }
0x12: {  	s1 =	sld [smem:$0x3F9A];
	s0 =	simm.s32 @p0 $0x1  }
0x13: {  	[smem:$0x3FB5] =	sst s0;
	s0 =	simm.s32 @!p1 $0x0  }
0x14: {  	s2 =	sld [smem:$0x3F99];
	s0 =	simm.s32 @p1 $0x1  }
0x15: {  	[smem:$0x3FB6] =	sst s0;
	s0 =	simm.s32 @!p2 $0x0  }
0x16: {  	s3 =	sld [smem:$0x3FDB];
	s0 =	simm.s32 @p2 $0x1  }
0x17: {  	s4 =	simm.s32 $0x1BF5;
	[smem:$0x3FB8] =	sst s0  }
0x18: {  	s0 =	sld [smem:$0x3F9B];
	_ =	swait.ge [sflag:s4], $0x0  }
0x19: {  	s7 =	sld [smem:$0x3F9C]  }
0x1a: {  	s8 =	sadd.s32 $0xFFFFE003, lr  }
0x1b: {  	s9 =	sadd.s32 $0xFFFFFEF7, lr;
	s5 =	simm.s32 $0xFFFFFFFF;
	p2 =	slt.u32 s8, $0xFFFFF086  }
0x1c: {  	p1 =	slt.u32 s9, $0xF7A;
	s5 =	simm.s32 @!p2 $0x0  }
0x1d: {  	s5 =	simm.s32 @p1 $0x1;
	p0 =	seq.s32 s7, s2  }
0x1e: {  	s7 =	smul.u32 @!p0 $0xF7A, s2;
	p2 =	seq.s32 @!p0 s5, $0x0  }
0x1f: {  	s9 =	smul.u32 $0xF7A, s1;
	s8 =	simm.s32 @!p0 $0x1BF5;
	p2 =	por !p2, p0  }
0x20: {  	[sflag:s8] =	ssyncset.s32 @!p0 $0xFFFFF086;
	s6 =	sadd.s32 @!p0 s3, s7;
	s7 =	simm.s32 @!p0 $0x108  }
0x21: {  	s3 =	sadd.s32 s3, s9;
	s6 =	sadd.s32 @!p0 $0x88, s6;
	s7 =	simm.s32 @p2 $0x1082  }
0x22: {  	[simem:s7], [sflag:s8] =	dma.local @!p0 [hbm:s6], $0xF7A  }
0x23: {  	s9 =	sor.u32 $0xD0000000, s2;
	s6 =	simm.s32 $0x108;
	_ =	swait.ge @!p0 [sflag:s8], $0x0  }
0x24: {  	s3 =	sadd.s32 $0x88, s3;
	s6 =	simm.s32 @!p1 $0x1082;
	[sflag:s4] =	ssyncset.s32 $0xFFFFF086  }
0x25: {  	[simem:s6], [sflag:s4] =	dma.local [hbm:s3], $0xF7A  }
0x26: {  	[smem:$0x3F9C] =	sst s1;
	(tag) =	ssettag s2;
	_ =	strace s9  }
0x27: {  	s1 =	sld [smem:$0x3FAC]  }
0x28: {  	s2 =	sld [smem:$0x3FAD]  }
0x29: {  	s4 =	sld [smem:$0x3FAF]  }
0x2a: {  	p0 =	seq.s32 s5, $0x0;
	s5 =	sld [smem:$0x3FB0]  }
0x2b: {  	s6 =	sld [smem:$0x3FB1]  }
0x2c: {  	s7 =	sld [smem:$0x3FB2]  }
0x2d: {  	s3 =	simm.s32 $0x108;
	s8 =	sld [smem:$0x3FB3]  }
0x2e: {  	s3 =	simm.s32 @!p0 $0x1082;
	s9 =	sld [smem:$0x3FB4]  }
0x2f: {  	lr =	sadd.s32 s0, s3;
	s0 =	sld [smem:$0x3FAB]  }
0x30: {  	s3 =	sld [smem:$0x3FAE]  }
0x31: {  	[smem:$0x3FB7] =	sst s10  }
0x32: {  	s10 =	sld [smem:$0x3FB5];
	_ =	sdelay $0x3  }
0x33: {  	p0 =	seq.s32 s10, $0x1;
	s10 =	sld [smem:$0x3FB7];
	_ =	sdelay $0x3  }
0x34: {  	[smem:$0x3FB7] =	sst s10  }
0x35: {  	s10 =	sld [smem:$0x3FB6];
	_ =	sdelay $0x3  }
0x36: {  	p1 =	seq.s32 s10, $0x1;
	s10 =	sld [smem:$0x3FB7];
	_ =	sdelay $0x3  }
0x37: {  	[smem:$0x3FB7] =	sst s10  }
0x38: {  	s10 =	sld [smem:$0x3FB8]  }
0x39: {  	_ = 	snop;
	(pc) =	sbr.ind lr, $3  }
0x3a: {  	_ = 	snop  }
0x3b: {  	_ = 	snop  }
0x3c: {  	p2 =	seq.s32 s10, $0x1;
	s10 =	sld [smem:$0x3FB7]  }
0x3d: {  	_ =	shalt  }
0x3e: {  	_ =	shalt  }
0x3f: {  	_ =	shalt  }
0x40: {  	_ =	shalt  }
0x41: {  	_ =	shalt  }
0x42: {  	_ =	shalt  }
0x43: {  	_ =	shalt  }
0x44: {  	_ =	shalt  }
0x45: {  	_ =	shalt  }
0x46: {  	_ =	shalt  }
0x47: {  	_ =	shalt  }
0x48: {  	_ =	shalt  }
0x49: {  	_ =	shalt  }
0x4a: {  	_ =	shalt  }
0x4b: {  	_ =	shalt  }
0x4c: {  	_ =	shalt  }
0x4d: {  	_ =	shalt  }
0x4e: {  	_ =	shalt  }
0x4f: {  	_ =	shalt  }
0x50: {  	_ =	shalt  }
0x51: {  	_ =	shalt  }
0x52: {  	_ =	shalt  }
0x53: {  	_ =	shalt  }
0x54: {  	_ =	shalt  }
0x55: {  	_ =	shalt  }
0x56: {  	_ =	shalt  }
0x57: {  	_ =	shalt  }
0x58: {  	_ =	shalt  }
0x59: {  	_ =	shalt  }
0x5a: {  	_ =	shalt  }
0x5b: {  	_ =	shalt  }
0x5c: {  	_ =	shalt  }
0x5d: {  	_ =	shalt  }
0x5e: {  	_ =	shalt  }
0x5f: {  	_ =	shalt  }
0x60: {  	_ =	shalt  }
0x61: {  	_ =	shalt  }
0x62: {  	_ =	shalt  }
0x63: {  	_ =	shalt  }
0x64: {  	_ =	shalt  }
0x65: {  	_ =	shalt  }
0x66: {  	_ =	shalt  }
0x67: {  	_ =	shalt  }
0x68: {  	_ =	shalt  }
0x69: {  	_ =	shalt  }
0x6a: {  	_ =	shalt  }
0x6b: {  	_ =	shalt  }
0x6c: {  	_ =	shalt  }
0x6d: {  	_ =	shalt  }
0x6e: {  	_ =	shalt  }
0x6f: {  	_ =	shalt  }
0x70: {  	_ =	shalt  }
0x71: {  	_ =	shalt  }
0x72: {  	_ =	shalt  }
0x73: {  	_ =	shalt  }
0x74: {  	_ =	shalt  }
0x75: {  	_ =	shalt  }
0x76: {  	_ =	shalt  }
0x77: {  	_ =	shalt  }
0x78: {  	_ =	shalt  }
0x79: {  	_ =	shalt  }
0x7a: {  	_ =	shalt  }
0x7b: {  	_ =	shalt  }
0x7c: {  	_ =	shalt  }
0x7d: {  	_ =	shalt  }
0x7e: {  	_ =	shalt  }
0x7f: {  	_ =	shalt  }
0x80: {  	_ =	shalt  }
0x81: {  	_ =	shalt  }
0x82: {  	_ =	shalt  }
0x83: {  	_ =	shalt  }
0x84: {  	_ =	shalt  }
0x85: {  	_ =	shalt  }
0x86: {  	_ =	shalt  }
0x87: {  	_ =	shalt  }
.Lfunc_end0:
.L_simem_size_0:
called_computation_lowered:
.L_overlay_start_0:
0x88: {  	s2 =	sld [smem:$0x3FD9]  }
0x89: {  	s3 =	sld [smem:$0x3FFE];
	_ =	sdelay $0x1  }
0x8a: {  	s1 =	srdreg.scid  }
0x8b: {  	s0 =	sand.u32 $0x1, s1  }
0x8c: {  	s17 =	sshll.u32 s0, $0xA;
	s2 =	sadd.s32 s3, s2  }
0x8d: {  	s2 =	sadd.s32 s2, s17  }
0x8e: {  	[smem:$0x3FC3] =	sst s2  }
0x8f: {  	_ = 	snop  }
0x90: {  	s2 =	sld [smem:$0x3FD0];
	(tm) =	ssettm $0x1  }
0x91: {  	s18 =	sld [smem:$0x3FFB];
	_ =	sdelay $0x3  }
0x92: {  	_ =	strace s18  }
0x93: {  	s3 =	sld [smem:$0x3FFC];
	_ =	sdelay $0x3  }
0x94: {  	_ =	strace s3  }
0x95: {  	s3 =	sld [smem:$0x3FFD];
	_ =	sdelay $0x3  }
0x96: {  	_ =	strace s3  }
0x97: {  	_ =	strace $0x8FFFFFFF  }
0x98: {  	s19 =	sld [smem:$0x3FDB];
	_ =	sdelay $0x1  }
0x99: {  	s4 =	simm.s32 $_scs_section_size  }
0x9a: {  	s5 =	simm.s32 $_size__tile_overlayer_lowered;
	s6 =	simm.s32 $_tile_overlayer_lowered  }
0x9b: {  	s22 =	simm.s32 $0x1BFF;
	s21 =	sshll.u32 s6, $0x1;
	s3 =	sadd.s32 s4, s19  }
0x9c: {  	s7 =	simm.s32 $0x0;
	s20 =	sshll.u32 s5, $0x1;
	s5 =	sadd.s32 s21, s3  }
0x9d: {  	[timem:s7], [sflag:s22] =	dma.local [hbm:s5], s20  }
0x9e: {  	_ =	swait.ge [sflag:s22], s20  }
0x9f: {  	s4 =	ssub.s32 $0x0, s20;
	[sflag:s22] =	ssyncset.done $0x0  }
0xa0: {  	[sflag:s22] =	ssyncadd.s32 s4;
	_ =	sdelay $0x1  }
0xa1: {  	s23 =	simm.s32 $0x1B8B  }
0xa2: {  	_ =	swait.ge [sflag:s23], $0x1  }
0xa3: {  	[sflag:s23] =	ssyncset.done $0x0  }
0xa4: {  	s25 =	simm.s32 $0x1B8E;
	s24 =	sld [smem:$0x3FFE];
	[sflag:s23] =	ssyncadd.s32 $0xFFFFFFFF  }
0xa5: {  	s26 =	simm.s32 $execute0_lowered;
	[smem:$0x3FD2] =	sst s25  }
0xa6: {  	s5 =	sshll.u32 s26, $0x1;
	_ =	strace $0x80000046;
	[dreg:$0x1] =	wrdreg $0xFFFFFFFF  }
0xa7: {  	s28 =	simm.s32 $_size_execute0_lowered;
	s3 =	sadd.s32 s3, s5;
	[dreg:$0x0] =	wrdreg $0x0  }
0xa8: {  	s5 =	sshll.u32 s28, $0x1;
	[dreg:$0x2] =	wrdreg s3  }
0xa9: {  	[dreg:$0x3] =	wrdreg s5  }
0xaa: {  	[dreg:$0x4] =	wrdreg $0xC0  }
0xab: {  	_ =	task [dreg:s7], $0x5FFFF  }
0xac: {  	[dreg:$0x1] =	wrdreg $0xFFFFFFFF  }
0xad: {  	[dreg:$0x0] =	wrdreg $0x60  }
0xae: {  	[dreg:$0x2] =	wrdreg s24  }
0xaf: {  	[dreg:$0x3] =	wrdreg s2  }
0xb0: {  	[dreg:$0x4] =	wrdreg $0x9  }
0xb1: {  	_ =	task.clear_ibuf [dreg:s7], $0x5FFFF;
	_ =	strace $0x90000046  }
0xb2: {  	s29 =	simm.s32 $0x9;
	_ =	strace $0x80000048  }
0xb3: {  	_ =	swait.ge [sflag:s29], $0x1  }
0xb4: {  	[sflag:s29] =	ssyncadd.s32 $0xFFFFFFFF  }
0xb5: {  	_ =	strace $0x90000048  }
0xb6: {  	_ =	sfence  }
0xb7: {  	s30 =	sld [smem:$0x0];
	_ =	sdelay $0x2  }
0xb8: {  	s31 =	sshll.u32 s1, $0xD;
	s1 =	sshrl.u32 s1, $0x2  }
0xb9: {  	s3 =	sand.u32 $0x4000, s31;
	s1 =	sadd.s32 s1, s30  }
0xba: {  	s0 =	sor.u32 s3, s0;
	s1 =	sshll.u32 s1, $0x11  }
0xbb: {  	s0 =	sor.u32 s1, s0  }
0xbc: {  	s0 =	sadd.s32 $0x8F2B, s0  }
0xbd: {  	[sflag:s0] =	ssyncadd.remote.s32 $0x1  }
0xbe: {  	_ =	sfence.sel $0xFFFF  }
0xbf: {  	[dreg:$0x0] =	wrdreg $0xFFFFFFFF;
	(pc) =	sbr.abs _section_cstart, $3  }
0xc0: {  	[dreg:$0x1] =	wrdreg $0xFFFFFFFF  }
0xc1: {  	_ =	task.clear_ibuf [dreg:s7], $0x2FFFF;
	_ =	strace $0x9FFFFFFF  }
0xc2: {  	(tm) =	ssettm $0x7FFFFFFF  }
0xc3: {  	_ =	shalt  }
tec
execute0_lowered:
.L_overlay_start_1:
0x0: {  	(tag) =	ssettag $0x1  }
0x1: {  	s1 =	srdreg.scid  }
0x2: {  	s0 =	stileid.u32;
	s4 =	rddreg [dreg:$0x0]  }
0x3: {  	s5 =	rddreg [dreg:$0x1];
	s9 =	simm.s32 $0x6400;
	s10 =	simm.s32 $0x60  }
0x4: {  	s11 =	simm.s32 $0x7E00;
	s12 =	simm.s32 $0x9800;
	s13 =	simm.s32 $0xB200  }
0x5: {  	s14 =	simm.s32 $0x1;
	s15 =	simm.s32 $0x2;
	s16 =	simm.s32 $0xCC00  }
0x6: {  	s17 =	simm.s32 $0x0;
	s3 =	sand.u32 $0x1, s1;
	s30 =	sshll.u32 s0, $0x8  }
0x7: {  	s1 =	rddreg [dreg:$0x2];
	s2 =	sshll.u32 s3, $0x7;
	s8 =	ssub.s32 $0x2, s3  }
0x8: {  	s3 =	sadd.s32 $0xC3A00, s4;
	s6 =	sor.u32 s2, s30;
	s2 =	simm.s32 $0x0  }
0x9: {  	s31 =	sshrl.u32 s8, $0x1;
	s7 =	smul.u32 $0x19, s6;
	[smem:$0x7FF] =	sst s2  }
0xa: {  	s6 =	sshll.u32 s6, $0x3;
	s8 =	ssub.s32 s8, s31;
	_ =	strace $0x80000047  }
0xb: {  	s5 =	sadd.s32 s5, s6;
	s6 =	smax.u32 s8, $0x1;
	s7 =	sadd.s32 s7, s4  }
0xc: {  	s8 =	simm.s32 $0x68;
	s4 =	sadd.s32 $0x400, s7;
	s7 =	simm.s32 $0x3  }
.LBB2_1:
0xd: {  	[tilespmem:s2], [sflag:$0x3] =	stream.linear.gather [hbm4b:s4+s2], $0x6400, $0x38;
	[tilespmem:$0xEC00] =	vst v63  }
0xe: {  	_ =	swait.ge [sflag:s7], $0x6400  }
0xf: {  	[sflag:s7] =	ssyncset.done $0x0  }
0x10: {  	[sflag:s7] =	ssyncadd.s32 $0xFFFF9C00  }
0x11: {  	[tilespmem:s9], [sflag:$0x1] =	stream.indirect.gather [hbm4b:s3+s8], $0x40, s2, s8, $0xb8;
	[tilespmem:$0xEC00] =	vst v63  }
0x12: {  	s19 =	simm.s32 $0x0  }
0x13: {  	[tilespmem:s11], [sflag:$0x1] =	stream.indirect.gather [hbm4b:s3+s8], $0x40, s10, s8, $0xb8;
	[tilespmem:$0xEC00] =	vst v63  }
.LBB2_2:
0x14: {  	s18 =	sshllo.u32 s19, $0x1  }
0x15: {  	s20 =	smul.u32 $0x320, s18;
	_ =	sdelay $0x1  }
0x16: {  	s20 =	sshra.s32 s20, $0x2  }
0x17: {  	[tilespmem:s12], [sflag:$0x2] =	stream.indirect.gather [hbm4b:s3+s8], $0x40, s20, s8, $0xb8;
	[tilespmem:$0xEC00] =	vst v63  }
0x18: {  	s20 =	sadd.s32 $0x60, s20  }
0x19: {  	[tilespmem:s13], [sflag:$0x2] =	stream.indirect.gather [hbm4b:s3+s8], $0x40, s20, s8, $0xb8;
	[tilespmem:$0xEC00] =	vst v63  }
0x1a: {  	_ =	swait.ge [sflag:s14], $0x3400  }
0x1b: {  	[sflag:s14] =	ssyncset.done $0x0  }
0x1c: {  	[sflag:s14] =	ssyncadd.s32 $0xFFFFCC00  }
0x1d: {  	v4 =	vld [tilespmem:$0x6400]  }
0x1e: {  	v2 =	vld [tilespmem:$0x6410]  }
0x1f: {  	v1 =	vld [tilespmem:$0x6420]  }
0x20: {  	s21 =	simm.s32 $0x0;
	v0 =	vld [tilespmem:$0x6430]  }
0x21: {  	v3 =	vld [tilespmem:s21+$0x6470]  }
0x22: {  	v7 =	vld [tilespmem:s21+$0x6440]  }
0x23: {  	v6 =	vld [tilespmem:s21+$0x6450]  }
0x24: {  	s20 =	simm.s32 $0x100;
	v5 =	vld [tilespmem:s21+$0x6460]  }
.LBB2_3:
0x25: {  	p0 =	sne.s32 s20, $0xCE00  }
.Ltmp0:
0x26: {  	s21 =	sshra.s32 s20, $0x2;
	s20 =	sadd.s32 $0x100, s20;
	v0 =	vmax.bf16 v0, v3;
	(pc) =	sbr.rel @p0 .LBB2_3-.Ltmp0, $4  }
0x27: {  	v3 =	vld [tilespmem:s21+$0x6470];
	v4 =	vmax.bf16 v4, v7  }
0x28: {  	v7 =	vld [tilespmem:s21+$0x6440];
	v2 =	vmax.bf16 v2, v6  }
0x29: {  	v6 =	vld [tilespmem:s21+$0x6450];
	v1 =	vmax.bf16 v1, v5  }
0x2a: {  	v5 =	vld [tilespmem:s21+$0x6460]  }
0x2b: {  	s20 =	sshll.u32 s19, $0x7  }
0x2c: {  	p0 =	seq.s32 s19, $0x3F;
	s20 =	sand.u32 $0x3FFFFF80, s20;
	v0 =	vmax.bf16 v0, v3  }
0x2d: {  	s21 =	smul.u32 @!p0 $0x640, s19;
	v4 =	vmax.bf16 v4, v7;
	[tilespmem:s20+$0xCC30] =	vst v0  }
0x2e: {  	v2 =	vmax.bf16 v2, v6;
	[tilespmem:s20+$0xCC00] =	vst v4  }
0x2f: {  	s21 =	sshra.s32 @!p0 s21, $0x2;
	v1 =	vmax.bf16 v1, v5;
	[tilespmem:s20+$0xCC10] =	vst v2  }
0x30: {  	s22 =	simm.s32 @!p0 $0x68;
	s23 =	simm.s32 @!p0 $0x6400;
	[tilespmem:s20+$0xCC20] =	vst v1;
	s20 =	sadd.s32 @!p0 $0x190, s21  }
0x31: {  	[tilespmem:s23], [sflag:$0x1] =	stream.indirect.gather @!p0 [hbm4b:s3+s22], $0x40, s20, s22, $0xb8;
	[tilespmem:$0xEC00] =	vst v63  }
0x32: {  	s20 =	sadd.s32 @!p0 $0x1F0, s21;
	s21 =	simm.s32 @!p0 $0x7E00  }
0x33: {  	[tilespmem:s21], [sflag:$0x1] =	stream.indirect.gather @!p0 [hbm4b:s3+s22], $0x40, s20, s22, $0xb8;
	[tilespmem:$0xEC00] =	vst v63  }
0x34: {  	_ =	swait.ge [sflag:s15], $0x3400  }
0x35: {  	[sflag:s15] =	ssyncset.done $0x0  }
0x36: {  	[sflag:s15] =	ssyncadd.s32 $0xFFFFCC00  }
0x37: {  	v3 =	vld [tilespmem:$0x9800]  }
0x38: {  	v2 =	vld [tilespmem:$0x9810]  }
0x39: {  	v1 =	vld [tilespmem:$0x9820]  }
0x3a: {  	s31 =	simm.s32 $0x0;
	v0 =	vld [tilespmem:$0x9830]  }
0x3b: {  	v4 =	vld [tilespmem:s31+$0x9870]  }
0x3c: {  	v6 =	vld [tilespmem:s31+$0x9840]  }
0x3d: {  	v5 =	vld [tilespmem:s31+$0x9850]  }
0x3e: {  	s19 =	sadd.s32 $0x1, s19;
	s20 =	simm.s32 $0x100;
	v7 =	vld [tilespmem:s31+$0x9860]  }
.LBB2_5:
0x3f: {  	p0 =	sne.s32 s20, $0xCE00  }
.Ltmp1:
0x40: {  	s21 =	sshra.s32 s20, $0x2;
	s20 =	sadd.s32 $0x100, s20;
	v0 =	vmax.bf16 v0, v4;
	(pc) =	sbr.rel @p0 .LBB2_5-.Ltmp1, $4  }
0x41: {  	v4 =	vld [tilespmem:s21+$0x9870];
	v3 =	vmax.bf16 v3, v6  }
0x42: {  	v6 =	vld [tilespmem:s21+$0x9840];
	v2 =	vmax.bf16 v2, v5  }
0x43: {  	v5 =	vld [tilespmem:s21+$0x9850];
	v1 =	vmax.bf16 v1, v7  }
0x44: {  	v7 =	vld [tilespmem:s21+$0x9860]  }
0x45: {  	s18 =	sshll.u32 s18, $0x6;
	p0 =	sne.s32 s19, $0x40  }
.Ltmp2:
0x46: {  	s18 =	sand.u32 $0x3FFFFFC0, s18;
	v0 =	vmax.bf16 v0, v4;
	(pc) =	sbr.rel @p0 .LBB2_2-.Ltmp2, $4  }
0x47: {  	v3 =	vmax.bf16 v3, v6;
	[tilespmem:s18+$0xCC30] =	vst v0  }
0x48: {  	v2 =	vmax.bf16 v2, v5;
	[tilespmem:s18+$0xCC00] =	vst v3  }
0x49: {  	v1 =	vmax.bf16 v1, v7;
	[tilespmem:s18+$0xCC10] =	vst v2  }
0x4a: {  	[tilespmem:s18+$0xCC20] =	vst v1  }
0x4b: {  	s17 =	sadd.s32 $0x1, s17  }
0x4c: {  	p0 =	sne.s32 s17, s6  }
.Ltmp3:
0x4d: {  	_ = 	snop;
	(pc) =	sbr.rel @p0 .LBB2_1-.Ltmp3, $4  }
0x4e: {  	[hbm4b:s5+s2] =	stream.linear.scatter [tilespmem:s16], [sflag:$0x3], $0x2000, $0x38;
	[tilespmem:$0xEC00] =	vst v63  }
0x4f: {  	_ =	swait.ge [sflag:s7], $0x2000  }
0x50: {  	[sflag:s7] =	ssyncset.done $0x0  }
0x51: {  	[sflag:s7] =	ssyncadd.s32 $0xFFFFE000  }
0x52: {  	_ =	sfence.sel $0x180000  }
0x53: {  	[bflag:$0x0] =	sbarrier.arrive $0xFFFF  }
0x54: {  	p0 =	sne.s32 s0, $0x0;
	_ =	strace $0x90000047  }
0x55: {  	s0 =	sadd.s32 @!p0 $0x100000, s1;
	[bflag:$0x2] =	sbarrier.arrive $0xFFFF  }
0x56: {  	[sflag:s0] =	ssyncadd.tile.s32 @!p0 $0x1;
	_ =	shalt  }
.Lfunc_end2:
_tile_overlayer_lowered:
.L_overlay_start_2:
0x57: {  	(tag) =	ssettag $0x2  }
0x58: {  	s0 =	rddreg [dreg:$0x0];
	s2 =	stileid.u32  }
0x59: {  	s1 =	rddreg [dreg:$0x1];
	p0 =	sne.s32 s2, $0x0  }
0x5a: {  	s3 =	rddreg [dreg:$0x2];
	[bflag:$0x3] =	sbarrier.arrive $0xFFFF;
	s2 =	simm.s32 @!p0 $0x1C03  }
0x5b: {  	[timem:s3], [sflag:s2] =	dma.local @!p0 [hbm:s0], s1  }
0x5c: {  	s0 =	simm.s32 @!p0 $0x3  }
0x5d: {  	_ =	swait.ge @!p0 [sflag:s0], s1  }
0x5e: {  	s1 =	ssub.s32 @!p0 $0x0, s1;
	[sflag:s0] =	ssyncset.done @!p0 $0x0  }
0x5f: {  	[sflag:s0] =	ssyncadd.s32 @!p0 s1  }
0x60: {  	[bflag:$0x3] =	sbarrier.arrive $0xFFFF  }
0x61: {  	_ =	shalt  }

</sc_bundles>
